<compile_context>
chip_gen: v7x
topology: tpu7x:2x2x1
jax: 0.10.2.dev20260603
libtpu: 0.0.44.dev20260713+nightly
codegen_flags: <defaults>
</compile_context>

<pallas_src>
import functools

import jax
import jax.numpy as jnp
from jax import lax
from jax.experimental import pallas as pl
from jax.experimental.pallas import tpu as pltpu
from jax.experimental.pallas import tpu_sc as plsc

_B = 4096
_L = 51
_V = 100000
_D = 128
_DOUT = 128

_VPAD = _V + 8
_RBLK = 2000
_PGRID = _V // _RBLK + 1

_NC = 2
_NS = 16
_NW = _NC * _NS
_TOK = _B * _L
_TPW = _TOK // _NW
_RPW = _B // _NW
_CH = 128
_NCH = _TPW // _CH


def _proj_body(tab_ref, w_ref, b_ref, sp_ref, out_ref):
    w = w_ref[...]
    bias = b_ref[...]
    out_ref[...] = jnp.dot(tab_ref[...], w, preferred_element_type=jnp.float32) + bias

    @pl.when(pl.program_id(0) == _PGRID - 1)
    def _():
        out_ref[0:8, :] = jnp.dot(sp_ref[...], w, preferred_element_type=jnp.float32) + bias


_proj = pl.pallas_call(
    _proj_body,
    grid=(_PGRID,),
    in_specs=[
        pl.BlockSpec((_RBLK, _D), lambda i: (jnp.minimum(i, _V // _RBLK - 1), 0)),
        pl.BlockSpec((_D, _DOUT), lambda i: (0, 0)),
        pl.BlockSpec((1, _DOUT), lambda i: (0, 0)),
        pl.BlockSpec((8, _D), lambda i: (0, 0)),
    ],
    out_specs=pl.BlockSpec((_RBLK, _DOUT), lambda i: (i, 0)),
    out_shape=jax.ShapeDtypeStruct((_VPAD, _DOUT), jnp.float32),
)


def _gather_body(ptab, wid, lens, out, clen, ids_v, len_v, idx_v, buf, clen_v):
    c = lax.axis_index("c")
    s = lax.axis_index("s")
    w = s * _NC + c
    tbase = w * _TPW
    rbase = w * _RPW

    pltpu.sync_copy(wid.at[pl.ds(tbase, _TPW)], ids_v)
    pltpu.sync_copy(lens.at[pl.ds(rbase, _RPW)], len_v)

    def _clen_step(i, carry):
        clen_v[pl.ds(i * 16, 16)] = len_v[pl.ds(i * 16, 16)] + 1
        return carry

    lax.fori_loop(0, _RPW // 16, _clen_step, 0)
    pltpu.sync_copy(clen_v, clen.at[pl.ds(rbase, _RPW)])

    def _idx_step(i, carry):
        ids = ids_v[pl.ds(i * 16, 16)]
        g = tbase + i * 16 + lax.iota(jnp.int32, 16)
        b_loc = lax.div(g, jnp.int32(_L)) - rbase
        pos = lax.rem(g, jnp.int32(_L))
        lb = plsc.load_gather(len_v, [b_loc])
        row = jnp.where(ids < 0, _V + 1, jnp.where(pos == lb, _V, ids))
        idx_v[pl.ds(i * 16, 16)] = row
        return carry

    lax.fori_loop(0, _TPW // 16, _idx_step, 0)

    def _ch_step(k, carry):
        pltpu.sync_copy(ptab.at[idx_v.at[pl.ds(k * _CH, _CH)]], buf)
        pltpu.sync_copy(buf, out.at[pl.ds(tbase + k * _CH, _CH)])
        return carry

    lax.fori_loop(0, _NCH, _ch_step, 0)


_gather = pl.kernel(
    _gather_body,
    mesh=plsc.VectorSubcoreMesh(core_axis_name="c", subcore_axis_name="s"),
    compiler_params=pltpu.CompilerParams(needs_layout_passes=False),
    out_type=[
        jax.ShapeDtypeStruct((_TOK, _DOUT), jnp.float32),
        jax.ShapeDtypeStruct((_B,), jnp.int32),
    ],
    scratch_types=[
        pltpu.VMEM((_TPW,), jnp.int32),
        pltpu.VMEM((_RPW,), jnp.int32),
        pltpu.VMEM((_TPW,), jnp.int32),
        pltpu.VMEM((_CH, _DOUT), jnp.float32),
        pltpu.VMEM((_RPW,), jnp.int32),
    ],
)


def kernel(word_ids, lengths, embed_table, eof_embedding, unk_embedding, proj_w, proj_b):
    specials = jnp.concatenate(
        [eof_embedding, unk_embedding, jnp.zeros((6, _D), jnp.float32)], axis=0)
    ptab = _proj(embed_table, proj_w, proj_b.reshape(1, _DOUT), specials)
    out_flat, char_len = _gather(ptab, word_ids.reshape(-1), lengths)
    return out_flat.reshape(_B, _L, _DOUT), char_len

# --- scband reference (transcript-rebuilt; emitter-appended) ---
"""Pipeline reference for scband-sp-wepipeline-24833500905523 (READ-ONLY COPY).

The authoritative reference and input builder live on the scoring server;
editing this copy changes nothing except your own understanding.
"""

import jax, jax.numpy as jnp
import numpy as np

B = 4096   # batch
L = 51     # max_length (= max seq len 50 + 1 EOF slot)
V = 100000 # num_emb (vocab)
D = 128    # emb_dim
DOUT = 128 # emb_project_to


def setup_inputs(seed=0) -> dict:
    key = jax.random.key(seed)
    ks = jax.random.split(key, 8)
    # token ids; in the torch module negative ids mark UNK and get the unk embedding.
    word_ids = jax.random.randint(ks[0], (B, L), 0, V)
    # instance['len'] per example (position of EOF token), in [0, L-1)
    lengths = jax.random.randint(ks[1], (B,), 0, L - 1)
    # learned params (embedding table frozen in the original module)
    embed_table = jax.random.normal(ks[2], (V, D), dtype=jnp.float32) * 0.1
    bias = float(np.sqrt(3.0 / D))
    eof_embedding = jax.random.uniform(ks[3], (1, D), minval=-bias, maxval=bias, dtype=jnp.float32)
    unk_embedding = jax.random.uniform(ks[4], (1, D), minval=-bias, maxval=bias, dtype=jnp.float32)
    proj_w = jax.random.normal(ks[5], (D, DOUT), dtype=jnp.float32) * (1.0 / np.sqrt(D))
    proj_b = jnp.zeros((DOUT,), dtype=jnp.float32)
    return {
        'word_ids': word_ids,
        'lengths': lengths,
        'embed_table': embed_table,
        'eof_embedding': eof_embedding,
        'unk_embedding': unk_embedding,
        'proj_w': proj_w,
        'proj_b': proj_b,
    }


def reference(word_ids, lengths, embed_table, eof_embedding, unk_embedding, proj_w, proj_b):
    Bc, Lc = word_ids.shape
    # special-token mask (negative ids -> UNK)
    sp_mask = word_ids < 0
    ids = jnp.where(sp_mask, 0, word_ids)
    # embedding lookup, flattened to [B*L, D] like the torch view
    word_embed = jnp.take(embed_table, ids.reshape(-1), axis=0)
    # overwrite EOF positions with the learned eof embedding
    eof_ind = jnp.arange(Bc) * Lc + lengths
    word_embed = word_embed.at[eof_ind].set(
        jnp.broadcast_to(eof_embedding, (Bc, word_embed.shape[1])))
    # overwrite UNK positions with the learned unk embedding
    word_embed = jnp.where(sp_mask.reshape(-1, 1), unk_embedding, word_embed)
    word_embed = word_embed.reshape(Bc, Lc, -1)
    # word_dropout and dropout are identity in eval mode
    rep = word_embed @ proj_w + proj_b
    char_len = lengths + 1
    return rep, char_len


if False:  # reference __main__ guard neutralized (emitter)
    out = reference(**setup_inputs())
    print(out[0].shape, out[1].shape)

if __name__ == "__main__":
    import jax
    _d = setup_inputs()
    print(jax.jit(kernel)(*tuple(_d.values())))

</pallas_src>

<mosaic_0001>
#map = affine_map<(d0, d1) -> (0, 0)>
#map1 = affine_map<(d0, d1) -> (0)>
module attributes {stable_mosaic.version = 14 : i64} {
  func.func @_gather_body(%arg0: i32, %arg1: i32, %arg2: memref<100008x128xf32, #tpu.memory_space<hbm>>, %arg3: memref<208896xi32, #tpu.memory_space<hbm>>, %arg4: memref<4096xi32, #tpu.memory_space<hbm>>, %arg5: memref<208896x128xf32, #tpu.memory_space<hbm>>, %arg6: memref<4096xi32, #tpu.memory_space<hbm>>, %arg7: memref<6528xi32, #tpu.memory_space<vmem>>, %arg8: memref<128xi32, #tpu.memory_space<vmem>>, %arg9: memref<6528xi32, #tpu.memory_space<vmem>>, %arg10: memref<128x128xf32, #tpu.memory_space<vmem>>, %arg11: memref<128xi32, #tpu.memory_space<vmem>>) attributes {dimension_semantics = [#tpu.dimension_semantics<core_parallel>, #tpu.dimension_semantics<subcore_parallel>], iteration_bounds = array<i64: 2, 16>, scalar_prefetch = 0 : i64, scratch_operands = 5 : i64, tpu.core_type = #tpu.core_type<sc_vector_subcore>, window_params = [{transform_indices = #map}, {transform_indices = #map1}, {transform_indices = #map1}, {transform_indices = #map}, {transform_indices = #map1}]} {
    %mul3A = arith.constant 2 : i32
    %mul3A_0 = arith.muli %arg1, %mul3A : i32
    %add3A = arith.addi %mul3A_0, %arg0 : i32
    %mul3A_1 = arith.constant 6528 : i32
    %mul3A_2 = arith.muli %add3A, %mul3A_1 : i32
    %mul3A_3 = arith.constant 128 : i32
    %mul3A_4 = arith.muli %add3A, %mul3A_3 : i32
    "tpu.region"() ({
      %run_scoped3A = tpu.sem_alloc : memref<!tpu.dma_semaphore, #tpu.memory_space<semaphore_mem>>
      %dma_start3A = tpu.memref_slice %arg3[%mul3A_2] : memref<208896xi32, #tpu.memory_space<hbm>> -> memref<6528xi32, #tpu.memory_space<hbm>>
      %dma_start3A_22 = tpu.memref_slice %arg3[%mul3A_2] : memref<208896xi32, #tpu.memory_space<hbm>> -> memref<6528xi32, #tpu.memory_space<hbm>>
      tpu.enqueue_dma source(%dma_start3A_22 : memref<6528xi32, #tpu.memory_space<hbm>>) target(%arg7 : memref<6528xi32, #tpu.memory_space<vmem>>) target_semaphore(%run_scoped3A : memref<!tpu.dma_semaphore, #tpu.memory_space<semaphore_mem>>)
      %dma_wait3A = tpu.memref_slice %arg3[%mul3A_2] : memref<208896xi32, #tpu.memory_space<hbm>> -> memref<6528xi32, #tpu.memory_space<hbm>>
      %dma_wait3A_23 = tpu.memref_slice %arg3[%mul3A_2] : memref<208896xi32, #tpu.memory_space<hbm>> -> memref<6528xi32, #tpu.memory_space<hbm>>
      tpu.wait_dma2 semaphore(%run_scoped3A : memref<!tpu.dma_semaphore, #tpu.memory_space<semaphore_mem>>) src(%dma_wait3A_23 : memref<6528xi32, #tpu.memory_space<hbm>>) dst(%arg7 : memref<6528xi32, #tpu.memory_space<vmem>>)
      tpu.yield
    }) : () -> ()
    "tpu.region"() ({
      %run_scoped3A = tpu.sem_alloc : memref<!tpu.dma_semaphore, #tpu.memory_space<semaphore_mem>>
      %dma_start3A = tpu.memref_slice %arg4[%mul3A_4] : memref<4096xi32, #tpu.memory_space<hbm>> -> memref<128xi32, #tpu.memory_space<hbm>>
      %dma_start3A_22 = tpu.memref_slice %arg4[%mul3A_4] : memref<4096xi32, #tpu.memory_space<hbm>> -> memref<128xi32, #tpu.memory_space<hbm>>
      tpu.enqueue_dma source(%dma_start3A_22 : memref<128xi32, #tpu.memory_space<hbm>>) target(%arg8 : memref<128xi32, #tpu.memory_space<vmem>>) target_semaphore(%run_scoped3A : memref<!tpu.dma_semaphore, #tpu.memory_space<semaphore_mem>>)
      %dma_wait3A = tpu.memref_slice %arg4[%mul3A_4] : memref<4096xi32, #tpu.memory_space<hbm>> -> memref<128xi32, #tpu.memory_space<hbm>>
      %dma_wait3A_23 = tpu.memref_slice %arg4[%mul3A_4] : memref<4096xi32, #tpu.memory_space<hbm>> -> memref<128xi32, #tpu.memory_space<hbm>>
      tpu.wait_dma2 semaphore(%run_scoped3A : memref<!tpu.dma_semaphore, #tpu.memory_space<semaphore_mem>>) src(%dma_wait3A_23 : memref<128xi32, #tpu.memory_space<hbm>>) dst(%arg8 : memref<128xi32, #tpu.memory_space<vmem>>)
      tpu.yield
    }) : () -> ()
    %scan3A = arith.constant 0 : i32
    %scan3A_5 = arith.constant 0 : i32
    %scan3A_6 = arith.constant 8 : i32
    %scan3A_7 = arith.addi %scan3A_5, %scan3A_6 : i32
    %scan3A_8 = arith.constant 1 : i32
    scf.for %scan3A_22 = %scan3A_5 to %scan3A_7 step %scan3A_8  : i32 {
      %mul3A_23 = arith.constant 16 : i32
      %mul3A_24 = arith.muli %scan3A_22, %mul3A_23 : i32
      %get3A = arith.index_cast %mul3A_24 : i32 to index
      %get3A_25 = tpu.vector_load %arg8[%get3A] {strides = array<i32>} : memref<128xi32, #tpu.memory_space<vmem>>, vector<16xi32>,
      %add3A_26 = arith.constant 1 : i32
      %add3A_27 = vector.broadcast %add3A_26 : i32 to vector<16xi32>
      %add3A_28 = arith.addi %get3A_25, %add3A_27 : vector<16xi32>
      %mul3A_29 = arith.constant 16 : i32
      %mul3A_30 = arith.muli %scan3A_22, %mul3A_29 : i32
      %swap3A = arith.index_cast %mul3A_30 : i32 to index
      %swap3A_31 = tpu.vector_load %arg11[%swap3A] {strides = array<i32>} : memref<128xi32, #tpu.memory_space<vmem>>, vector<16xi32>,
      tpu.vector_store %arg11[%swap3A], %add3A_28 {strides = array<i32>} : memref<128xi32, #tpu.memory_space<vmem>>, vector<16xi32>,
    }
    %scan3A_9 = arith.constant 8 : i32
    "tpu.region"() ({
      %run_scoped3A = tpu.sem_alloc : memref<!tpu.dma_semaphore, #tpu.memory_space<semaphore_mem>>
      %dma_start3A = tpu.memref_slice %arg6[%mul3A_4] : memref<4096xi32, #tpu.memory_space<hbm>> -> memref<128xi32, #tpu.memory_space<hbm>>
      %dma_start3A_22 = tpu.memref_slice %arg6[%mul3A_4] : memref<4096xi32, #tpu.memory_space<hbm>> -> memref<128xi32, #tpu.memory_space<hbm>>
      tpu.enqueue_dma source(%arg11 : memref<128xi32, #tpu.memory_space<vmem>>) target(%dma_start3A_22 : memref<128xi32, #tpu.memory_space<hbm>>) target_semaphore(%run_scoped3A : memref<!tpu.dma_semaphore, #tpu.memory_space<semaphore_mem>>)
      %dma_wait3A = tpu.memref_slice %arg6[%mul3A_4] : memref<4096xi32, #tpu.memory_space<hbm>> -> memref<128xi32, #tpu.memory_space<hbm>>
      %dma_wait3A_23 = tpu.memref_slice %arg6[%mul3A_4] : memref<4096xi32, #tpu.memory_space<hbm>> -> memref<128xi32, #tpu.memory_space<hbm>>
      tpu.wait_dma2 semaphore(%run_scoped3A : memref<!tpu.dma_semaphore, #tpu.memory_space<semaphore_mem>>) src(%arg11 : memref<128xi32, #tpu.memory_space<vmem>>) dst(%dma_wait3A_23 : memref<128xi32, #tpu.memory_space<hbm>>)
      tpu.yield
    }) : () -> ()
    %scan3A_10 = arith.constant 0 : i32
    %scan3A_11 = arith.constant 0 : i32
    %scan3A_12 = arith.constant 408 : i32
    %scan3A_13 = arith.addi %scan3A_11, %scan3A_12 : i32
    %scan3A_14 = arith.constant 1 : i32
    scf.for %scan3A_22 = %scan3A_11 to %scan3A_13 step %scan3A_14  : i32 {
      %mul3A_23 = arith.constant 16 : i32
      %mul3A_24 = arith.muli %scan3A_22, %mul3A_23 : i32
      %get3A = arith.index_cast %mul3A_24 : i32 to index
      %get3A_25 = tpu.vector_load %arg7[%get3A] {strides = array<i32>} : memref<6528xi32, #tpu.memory_space<vmem>>, vector<16xi32>,
      %mul3A_26 = arith.constant 16 : i32
      %mul3A_27 = arith.muli %scan3A_22, %mul3A_26 : i32
      %add3A_28 = arith.addi %mul3A_2, %mul3A_27 : i32
      %iota3A = tpu.iota {dimensions = array<i32: 0>} : vector<16xi32>
      %add3A_29 = vector.broadcast %add3A_28 : i32 to vector<16xi32>
      %add3A_30 = arith.addi %add3A_29, %iota3A : vector<16xi32>
      %div3A = arith.constant 51 : i32
      %div3A_31 = vector.broadcast %div3A : i32 to vector<16xi32>
      %div3A_32 = arith.divsi %add3A_30, %div3A_31 : vector<16xi32>
      %sub3A = vector.broadcast %mul3A_4 : i32 to vector<16xi32>
      %sub3A_33 = arith.subi %div3A_32, %sub3A : vector<16xi32>
      %rem3A = arith.constant 51 : i32
      %rem3A_34 = vector.broadcast %rem3A : i32 to vector<16xi32>
      %rem3A_35 = arith.remsi %add3A_30, %rem3A_34 : vector<16xi32>
      %gather3A = tpu.vector_load_idx %arg8[%sub3A_33] : memref<128xi32, #tpu.memory_space<vmem>>[vector<16xi32>], vector<16xi32>,
      %lt3A = arith.constant 0 : i32
      %lt3A_36 = vector.broadcast %lt3A : i32 to vector<16xi32>
      %lt3A_37 = arith.cmpi slt, %get3A_25, %lt3A_36 : vector<16xi32>
      %eq3A = arith.cmpi eq, %rem3A_35, %gather3A : vector<16xi32>
      %jit3A = arith.constant 100000 : i32
      %broadcast_in_dim3A = vector.broadcast %jit3A : i32 to vector<16xi32>
      %select_n3A = arith.select %eq3A, %broadcast_in_dim3A, %get3A_25 : vector<16xi1>, vector<16xi32>
      %jit3A_38 = arith.constant 100001 : i32
      %broadcast_in_dim3A_39 = vector.broadcast %jit3A_38 : i32 to vector<16xi32>
      %select_n3A_40 = arith.select %lt3A_37, %broadcast_in_dim3A_39, %select_n3A : vector<16xi1>, vector<16xi32>
      %mul3A_41 = arith.constant 16 : i32
      %mul3A_42 = arith.muli %scan3A_22, %mul3A_41 : i32
      %swap3A = arith.index_cast %mul3A_42 : i32 to index
      %swap3A_43 = tpu.vector_load %arg9[%swap3A] {strides = array<i32>} : memref<6528xi32, #tpu.memory_space<vmem>>, vector<16xi32>,
      tpu.vector_store %arg9[%swap3A], %select_n3A_40 {strides = array<i32>} : memref<6528xi32, #tpu.memory_space<vmem>>, vector<16xi32>,
    }
    %scan3A_15 = arith.constant 408 : i32
    %scan3A_16 = arith.constant 0 : i32
    %scan3A_17 = arith.constant 0 : i32
    %scan3A_18 = arith.constant 51 : i32
    %scan3A_19 = arith.addi %scan3A_17, %scan3A_18 : i32
    %scan3A_20 = arith.constant 1 : i32
    scf.for %scan3A_22 = %scan3A_17 to %scan3A_19 step %scan3A_20  : i32 {
      %mul3A_23 = arith.constant 128 : i32
      %mul3A_24 = arith.muli %scan3A_22, %mul3A_23 : i32
      "tpu.region"() ({
        %run_scoped3A = tpu.sem_alloc : memref<!tpu.dma_semaphore, #tpu.memory_space<semaphore_mem>>
        %dma_start3A = tpu.memref_slice %arg9[%mul3A_24] : memref<6528xi32, #tpu.memory_space<vmem>> -> memref<128xi32, #tpu.memory_space<vmem>>
        %dma_start3A_28 = arith.constant 0 : i32
        %dma_start3A_29 = arith.constant 0 : i32
        %dma_start3A_30 = tpu.memref_slice %arg2[%dma_start3A_28, %dma_start3A_29] : memref<100008x128xf32, #tpu.memory_space<hbm>> -> memref<100008x128xf32, #tpu.memory_space<hbm>>
        tpu.enqueue_indirect_dma source(%dma_start3A_30 : memref<100008x128xf32, #tpu.memory_space<hbm>>) target(%arg10 : memref<128x128xf32, #tpu.memory_space<vmem>>) offsets(%dma_start3A : memref<128xi32, #tpu.memory_space<vmem>>) semaphore(%run_scoped3A : memref<!tpu.dma_semaphore, #tpu.memory_space<semaphore_mem>>)
        %dma_wait3A = tpu.memref_slice %arg9[%mul3A_24] : memref<6528xi32, #tpu.memory_space<vmem>> -> memref<128xi32, #tpu.memory_space<vmem>>
        %dma_wait3A_31 = arith.constant 0 : i32
        %dma_wait3A_32 = arith.constant 0 : i32
        %dma_wait3A_33 = tpu.memref_slice %arg2[%dma_wait3A_31, %dma_wait3A_32] : memref<100008x128xf32, #tpu.memory_space<hbm>> -> memref<100008x128xf32, #tpu.memory_space<hbm>>
        tpu.wait_indirect_dma semaphore(%run_scoped3A : memref<!tpu.dma_semaphore, #tpu.memory_space<semaphore_mem>>) src(%dma_wait3A_33 : memref<100008x128xf32, #tpu.memory_space<hbm>>) dst(%arg10 : memref<128x128xf32, #tpu.memory_space<vmem>>)
        tpu.yield
      }) : () -> ()
      %mul3A_25 = arith.constant 128 : i32
      %mul3A_26 = arith.muli %scan3A_22, %mul3A_25 : i32
      %add3A_27 = arith.addi %mul3A_2, %mul3A_26 : i32
      "tpu.region"() ({
        %run_scoped3A = tpu.sem_alloc : memref<!tpu.dma_semaphore, #tpu.memory_space<semaphore_mem>>
        %dma_start3A = arith.constant 0 : i32
        %dma_start3A_28 = tpu.memref_slice %arg5[%add3A_27, %dma_start3A] : memref<208896x128xf32, #tpu.memory_space<hbm>> -> memref<128x128xf32, #tpu.memory_space<hbm>>
        %dma_start3A_29 = arith.constant 0 : i32
        %dma_start3A_30 = tpu.memref_slice %arg5[%add3A_27, %dma_start3A_29] : memref<208896x128xf32, #tpu.memory_space<hbm>> -> memref<128x128xf32, #tpu.memory_space<hbm>>
        tpu.enqueue_dma source(%arg10 : memref<128x128xf32, #tpu.memory_space<vmem>>) target(%dma_start3A_30 : memref<128x128xf32, #tpu.memory_space<hbm>>) target_semaphore(%run_scoped3A : memref<!tpu.dma_semaphore, #tpu.memory_space<semaphore_mem>>)
        %dma_wait3A = arith.constant 0 : i32
        %dma_wait3A_31 = tpu.memref_slice %arg5[%add3A_27, %dma_wait3A] : memref<208896x128xf32, #tpu.memory_space<hbm>> -> memref<128x128xf32, #tpu.memory_space<hbm>>
        %dma_wait3A_32 = arith.constant 0 : i32
        %dma_wait3A_33 = tpu.memref_slice %arg5[%add3A_27, %dma_wait3A_32] : memref<208896x128xf32, #tpu.memory_space<hbm>> -> memref<128x128xf32, #tpu.memory_space<hbm>>
        tpu.wait_dma2 semaphore(%run_scoped3A : memref<!tpu.dma_semaphore, #tpu.memory_space<semaphore_mem>>) src(%arg10 : memref<128x128xf32, #tpu.memory_space<vmem>>) dst(%dma_wait3A_33 : memref<128x128xf32, #tpu.memory_space<hbm>>)
        tpu.yield
      }) : () -> ()
    }
    %scan3A_21 = arith.constant 51 : i32
    return
  }
}

module attributes {stable_mosaic.version = 14 : i64} {
  func.func @_proj_body(%arg0: i32, %arg1: memref<2000x128xf32, #tpu.memory_space<vmem>>, %arg2: memref<128x128xf32, #tpu.memory_space<vmem>>, %arg3: memref<1x128xf32, #tpu.memory_space<vmem>>, %arg4: memref<8x128xf32, #tpu.memory_space<vmem>>, %arg5: memref<2000x128xf32, #tpu.memory_space<vmem>>) attributes {dimension_semantics = [#tpu.dimension_semantics<arbitrary>], iteration_bounds = array<i64: 51>, scalar_prefetch = 0 : i64, scratch_operands = 0 : i64, tpu.core_type = #tpu.core_type<tc>, window_params = [{transform_indices = @transform_0, window_bounds = array<i64: 2000, 128>}, {pipeline_mode = #tpu.pipeline_mode<synchronous>, transform_indices = @transform_1, window_bounds = array<i64: 128, 128>}, {pipeline_mode = #tpu.pipeline_mode<synchronous>, transform_indices = @transform_2, window_bounds = array<i64: 1, 128>}, {pipeline_mode = #tpu.pipeline_mode<synchronous>, transform_indices = @transform_3, window_bounds = array<i64: 8, 128>}, {transform_indices = @transform_4, window_bounds = array<i64: 2000, 128>}]} {
    %get3A = arith.constant 0 : index
    %get3A_0 = arith.constant 0 : index
    %get3A_1 = vector.load %arg2[%get3A, %get3A_0] : memref<128x128xf32, #tpu.memory_space<vmem>>, vector<128x128xf32>
    %get3A_2 = arith.constant 0 : index
    %get3A_3 = arith.constant 0 : index
    %get3A_4 = vector.load %arg3[%get3A_2, %get3A_3] : memref<1x128xf32, #tpu.memory_space<vmem>>, vector<1x128xf32>
    %get3A_5 = arith.constant 0 : index
    %get3A_6 = arith.constant 0 : index
    %get3A_7 = vector.load %arg1[%get3A_5, %get3A_6] : memref<2000x128xf32, #tpu.memory_space<vmem>>, vector<2000x128xf32>
    %dot_general3A = arith.constant dense<0.000000e+00> : vector<2000x128xf32>
    %dot_general3A_8 = tpu.matmul %get3A_7, %get3A_1, %dot_general3A {dimension_numbers = #tpu.dot_dimension_numbers<[1], [0], [0], [1], [0, 0, 1, 1], [], []>, transpose_lhs_hint = false} : vector<2000x128xf32>, vector<128x128xf32>, vector<2000x128xf32> -> vector<2000x128xf32>
    %add3A = vector.broadcast %get3A_4 : vector<1x128xf32> to vector<2000x128xf32>
    %add3A_9 = arith.addf %dot_general3A_8, %add3A : vector<2000x128xf32>
    %swap3A = arith.constant 0 : index
    %swap3A_10 = arith.constant 0 : index
    %swap3A_11 = vector.load %arg5[%swap3A, %swap3A_10] : memref<2000x128xf32, #tpu.memory_space<vmem>>, vector<2000x128xf32>
    tpu.vector_store %arg5[%swap3A, %swap3A_10], %add3A_9 {strides = array<i32>} : memref<2000x128xf32, #tpu.memory_space<vmem>>, vector<2000x128xf32>,
    %eq3A = arith.constant 50 : i32
    %eq3A_12 = arith.cmpi eq, %arg0, %eq3A : i32
    %convert_element_type3A = arith.extui %eq3A_12 : i1 to i32
    %cond3A = arith.constant 0 : i32
    %cond3A_13 = arith.cmpi ne, %convert_element_type3A, %cond3A : i32
    scf.if %cond3A_13 {
      %get3A_14 = arith.constant 0 : index
      %get3A_15 = arith.constant 0 : index
      %get3A_16 = vector.load %arg4[%get3A_14, %get3A_15] : memref<8x128xf32, #tpu.memory_space<vmem>>, vector<8x128xf32>
      %dot_general3A_17 = arith.constant dense<0.000000e+00> : vector<8x128xf32>
      %dot_general3A_18 = tpu.matmul %get3A_16, %get3A_1, %dot_general3A_17 {dimension_numbers = #tpu.dot_dimension_numbers<[1], [0], [0], [1], [0, 0, 1, 1], [], []>, transpose_lhs_hint = false} : vector<8x128xf32>, vector<128x128xf32>, vector<8x128xf32> -> vector<8x128xf32>
      %add3A_19 = vector.broadcast %get3A_4 : vector<1x128xf32> to vector<8x128xf32>
      %add3A_20 = arith.addf %dot_general3A_18, %add3A_19 : vector<8x128xf32>
      %swap3A_21 = arith.constant 0 : index
      %swap3A_22 = arith.constant 0 : index
      %swap3A_23 = vector.load %arg5[%swap3A_21, %swap3A_22] : memref<2000x128xf32, #tpu.memory_space<vmem>>, vector<8x128xf32>
      tpu.vector_store %arg5[%swap3A_21, %swap3A_22], %add3A_20 {strides = array<i32>} : memref<2000x128xf32, #tpu.memory_space<vmem>>, vector<8x128xf32>,
    } else {
    }
    return
  }
  func.func @transform_0(%arg0: i32) -> (i32, i32) {
    %min3A = arith.constant 49 : i32
    %min3A_0 = arith.minsi %arg0, %min3A : i32
    %c0_i32 = arith.constant 0 : i32
    %c0_i32_1 = arith.constant 0 : i32
    return %min3A_0, %c0_i32 : i32, i32
  }
  func.func @transform_1(%arg0: i32) -> (i32, i32) {
    %c0_i32 = arith.constant 0 : i32
    %c0_i32_0 = arith.constant 0 : i32
    %c0_i32_1 = arith.constant 0 : i32
    return %c0_i32, %c0_i32_0 : i32, i32
  }
  func.func @transform_2(%arg0: i32) -> (i32, i32) {
    %c0_i32 = arith.constant 0 : i32
    %c0_i32_0 = arith.constant 0 : i32
    %c0_i32_1 = arith.constant 0 : i32
    return %c0_i32, %c0_i32_0 : i32, i32
  }
  func.func @transform_3(%arg0: i32) -> (i32, i32) {
    %c0_i32 = arith.constant 0 : i32
    %c0_i32_0 = arith.constant 0 : i32
    %c0_i32_1 = arith.constant 0 : i32
    return %c0_i32, %c0_i32_0 : i32, i32
  }
  func.func @transform_4(%arg0: i32) -> (i32, i32) {
    %c0_i32 = arith.constant 0 : i32
    %c0_i32_0 = arith.constant 0 : i32
    return %arg0, %c0_i32 : i32, i32
  }
}

</mosaic_0001>

<sc_bundles>
// kernel: kernel.4.cloned.1.call-start
scs
__scs_entry_jumppad:
0x0: {  	(pc) =	sbr.rel $0x88, $3  }
0x1: {  	(tag) =	ssettag $0x0;
	lr =	simm.s32 $0x1  }
0x2: {  	[smem:$0x3F9A] =	sst lr;
	_ =	strace $0xD0000000  }
0x3: {  	_ = 	snop  }
0x4: {  	_ = 	snop  }
0x5: {  	_ = 	snop  }
0x6: {  	_ = 	snop  }
0x7: {  	_ = 	snop  }
__scs_overlays_trampoline_lowered:
0x8: {  	[smem:$0x3FA9] =	sst s0  }
0x9: {  	[smem:$0x3FAA] =	sst s1  }
0xa: {  	[smem:$0x3FAB] =	sst s2  }
0xb: {  	[smem:$0x3FAC] =	sst s3  }
0xc: {  	[smem:$0x3FAD] =	sst s4  }
0xd: {  	[smem:$0x3FAE] =	sst s5  }
0xe: {  	[smem:$0x3FAF] =	sst s6  }
0xf: {  	[smem:$0x3FB0] =	sst s7  }
0x10: {  	[smem:$0x3FB1] =	sst s8  }
0x11: {  	[smem:$0x3FB2] =	sst s9;
	s0 =	simm.s32 @!p0 $0x0  }
0x12: {  	s1 =	sld [smem:$0x3F98];
	s0 =	simm.s32 @p0 $0x1  }
0x13: {  	[smem:$0x3FB3] =	sst s0;
	s0 =	simm.s32 @!p1 $0x0  }
0x14: {  	s2 =	sld [smem:$0x3F97];
	s0 =	simm.s32 @p1 $0x1  }
0x15: {  	[smem:$0x3FB4] =	sst s0;
	s0 =	simm.s32 @!p2 $0x0  }
0x16: {  	s3 =	sld [smem:$0x3FDB];
	s0 =	simm.s32 @p2 $0x1  }
0x17: {  	s4 =	simm.s32 $0x1BF5;
	[smem:$0x3FB6] =	sst s0  }
0x18: {  	s0 =	sld [smem:$0x3F99];
	_ =	swait.ge [sflag:s4], $0x0  }
0x19: {  	s7 =	sld [smem:$0x3F9A]  }
0x1a: {  	s8 =	sadd.s32 $0xFFFFE003, lr  }
0x1b: {  	s9 =	sadd.s32 $0xFFFFFEF7, lr;
	s5 =	simm.s32 $0xFFFFFFFF;
	p2 =	slt.u32 s8, $0xFFFFF086  }
0x1c: {  	p1 =	slt.u32 s9, $0xF7A;
	s5 =	simm.s32 @!p2 $0x0  }
0x1d: {  	s5 =	simm.s32 @p1 $0x1;
	p0 =	seq.s32 s7, s2  }
0x1e: {  	s7 =	smul.u32 @!p0 $0xF7A, s2;
	p2 =	seq.s32 @!p0 s5, $0x0  }
0x1f: {  	s9 =	smul.u32 $0xF7A, s1;
	s8 =	simm.s32 @!p0 $0x1BF5;
	p2 =	por !p2, p0  }
0x20: {  	[sflag:s8] =	ssyncset.s32 @!p0 $0xFFFFF086;
	s6 =	sadd.s32 @!p0 s3, s7;
	s7 =	simm.s32 @!p0 $0x108  }
0x21: {  	s3 =	sadd.s32 s3, s9;
	s6 =	sadd.s32 @!p0 $0x88, s6;
	s7 =	simm.s32 @p2 $0x1082  }
0x22: {  	[simem:s7], [sflag:s8] =	dma.local @!p0 [hbm:s6], $0xF7A  }
0x23: {  	s9 =	sor.u32 $0xD0000000, s2;
	s6 =	simm.s32 $0x108;
	_ =	swait.ge @!p0 [sflag:s8], $0x0  }
0x24: {  	s3 =	sadd.s32 $0x88, s3;
	s6 =	simm.s32 @!p1 $0x1082;
	[sflag:s4] =	ssyncset.s32 $0xFFFFF086  }
0x25: {  	[simem:s6], [sflag:s4] =	dma.local [hbm:s3], $0xF7A  }
0x26: {  	[smem:$0x3F9A] =	sst s1;
	(tag) =	ssettag s2;
	_ =	strace s9  }
0x27: {  	s1 =	sld [smem:$0x3FAA]  }
0x28: {  	s2 =	sld [smem:$0x3FAB]  }
0x29: {  	s4 =	sld [smem:$0x3FAD]  }
0x2a: {  	p0 =	seq.s32 s5, $0x0;
	s5 =	sld [smem:$0x3FAE]  }
0x2b: {  	s6 =	sld [smem:$0x3FAF]  }
0x2c: {  	s7 =	sld [smem:$0x3FB0]  }
0x2d: {  	s3 =	simm.s32 $0x108;
	s8 =	sld [smem:$0x3FB1]  }
0x2e: {  	s3 =	simm.s32 @!p0 $0x1082;
	s9 =	sld [smem:$0x3FB2]  }
0x2f: {  	lr =	sadd.s32 s0, s3;
	s0 =	sld [smem:$0x3FA9]  }
0x30: {  	s3 =	sld [smem:$0x3FAC]  }
0x31: {  	[smem:$0x3FB5] =	sst s10  }
0x32: {  	s10 =	sld [smem:$0x3FB3];
	_ =	sdelay $0x3  }
0x33: {  	p0 =	seq.s32 s10, $0x1;
	s10 =	sld [smem:$0x3FB5];
	_ =	sdelay $0x3  }
0x34: {  	[smem:$0x3FB5] =	sst s10  }
0x35: {  	s10 =	sld [smem:$0x3FB4];
	_ =	sdelay $0x3  }
0x36: {  	p1 =	seq.s32 s10, $0x1;
	s10 =	sld [smem:$0x3FB5];
	_ =	sdelay $0x3  }
0x37: {  	[smem:$0x3FB5] =	sst s10  }
0x38: {  	s10 =	sld [smem:$0x3FB6]  }
0x39: {  	_ = 	snop;
	(pc) =	sbr.ind lr, $3  }
0x3a: {  	_ = 	snop  }
0x3b: {  	_ = 	snop  }
0x3c: {  	p2 =	seq.s32 s10, $0x1;
	s10 =	sld [smem:$0x3FB5]  }
0x3d: {  	_ =	shalt  }
0x3e: {  	_ =	shalt  }
0x3f: {  	_ =	shalt  }
0x40: {  	_ =	shalt  }
0x41: {  	_ =	shalt  }
0x42: {  	_ =	shalt  }
0x43: {  	_ =	shalt  }
0x44: {  	_ =	shalt  }
0x45: {  	_ =	shalt  }
0x46: {  	_ =	shalt  }
0x47: {  	_ =	shalt  }
0x48: {  	_ =	shalt  }
0x49: {  	_ =	shalt  }
0x4a: {  	_ =	shalt  }
0x4b: {  	_ =	shalt  }
0x4c: {  	_ =	shalt  }
0x4d: {  	_ =	shalt  }
0x4e: {  	_ =	shalt  }
0x4f: {  	_ =	shalt  }
0x50: {  	_ =	shalt  }
0x51: {  	_ =	shalt  }
0x52: {  	_ =	shalt  }
0x53: {  	_ =	shalt  }
0x54: {  	_ =	shalt  }
0x55: {  	_ =	shalt  }
0x56: {  	_ =	shalt  }
0x57: {  	_ =	shalt  }
0x58: {  	_ =	shalt  }
0x59: {  	_ =	shalt  }
0x5a: {  	_ =	shalt  }
0x5b: {  	_ =	shalt  }
0x5c: {  	_ =	shalt  }
0x5d: {  	_ =	shalt  }
0x5e: {  	_ =	shalt  }
0x5f: {  	_ =	shalt  }
0x60: {  	_ =	shalt  }
0x61: {  	_ =	shalt  }
0x62: {  	_ =	shalt  }
0x63: {  	_ =	shalt  }
0x64: {  	_ =	shalt  }
0x65: {  	_ =	shalt  }
0x66: {  	_ =	shalt  }
0x67: {  	_ =	shalt  }
0x68: {  	_ =	shalt  }
0x69: {  	_ =	shalt  }
0x6a: {  	_ =	shalt  }
0x6b: {  	_ =	shalt  }
0x6c: {  	_ =	shalt  }
0x6d: {  	_ =	shalt  }
0x6e: {  	_ =	shalt  }
0x6f: {  	_ =	shalt  }
0x70: {  	_ =	shalt  }
0x71: {  	_ =	shalt  }
0x72: {  	_ =	shalt  }
0x73: {  	_ =	shalt  }
0x74: {  	_ =	shalt  }
0x75: {  	_ =	shalt  }
0x76: {  	_ =	shalt  }
0x77: {  	_ =	shalt  }
0x78: {  	_ =	shalt  }
0x79: {  	_ =	shalt  }
0x7a: {  	_ =	shalt  }
0x7b: {  	_ =	shalt  }
0x7c: {  	_ =	shalt  }
0x7d: {  	_ =	shalt  }
0x7e: {  	_ =	shalt  }
0x7f: {  	_ =	shalt  }
0x80: {  	_ =	shalt  }
0x81: {  	_ =	shalt  }
0x82: {  	_ =	shalt  }
0x83: {  	_ =	shalt  }
0x84: {  	_ =	shalt  }
0x85: {  	_ =	shalt  }
0x86: {  	_ =	shalt  }
0x87: {  	_ =	shalt  }
.Lfunc_end0:
.L_simem_size_0:
called_computation.1_lowered:
.L_overlay_start_0:
0x88: {  	s2 =	sld [smem:$0x3FD9]  }
0x89: {  	s3 =	sld [smem:$0x3FFE];
	_ =	sdelay $0x1  }
0x8a: {  	s1 =	srdreg.scid  }
0x8b: {  	s0 =	sand.u32 $0x1, s1  }
0x8c: {  	s14 =	sshll.u32 s0, $0xA;
	s2 =	sadd.s32 s3, s2  }
0x8d: {  	s2 =	sadd.s32 s2, s14  }
0x8e: {  	[smem:$0x3FC1] =	sst s2  }
0x8f: {  	_ = 	snop  }
0x90: {  	s2 =	sld [smem:$0x3FD0];
	_ =	sdelay $0x2  }
0x91: {  	s4 =	simm.s32 $0xA;
	s5 =	simm.s32 $0x10;
	s15 =	sld [smem:$0x3FC8]  }
0x92: {  	[smem:s5], [sflag:s4] =	dma.local [hbm:s2], $0x1  }
0x93: {  	_ =	swait.eq [sflag:s4], $0x1  }
0x94: {  	[sflag:s4] =	ssyncset.done $0x0  }
0x95: {  	s16 =	sld [smem:$0x10];
	[sflag:s4] =	ssyncadd.s32 $0xFFFFFFFF  }
0x96: {  	s17 =	sld [smem:$0x11];
	(tm) =	ssettm $0x1  }
0x97: {  	s18 =	sld [smem:$0x3FFB];
	_ =	sdelay $0x3  }
0x98: {  	_ =	strace s18  }
0x99: {  	s5 =	sld [smem:$0x3FFC];
	_ =	sdelay $0x3  }
0x9a: {  	_ =	strace s5  }
0x9b: {  	s5 =	sld [smem:$0x3FFD];
	_ =	sdelay $0x3  }
0x9c: {  	_ =	strace s5  }
0x9d: {  	_ =	strace $0x8FFFFFFF  }
0x9e: {  	s19 =	sld [smem:$0x3FDB];
	_ =	sdelay $0x1  }
0x9f: {  	s6 =	simm.s32 $_scs_section_size  }
0xa0: {  	s7 =	simm.s32 $_size__tile_overlayer_lowered;
	s8 =	simm.s32 $_tile_overlayer_lowered  }
0xa1: {  	s22 =	simm.s32 $0x1BFF;
	s21 =	sshll.u32 s8, $0x1;
	s5 =	sadd.s32 s6, s19  }
0xa2: {  	s9 =	simm.s32 $0x0;
	s20 =	sshll.u32 s7, $0x1;
	s7 =	sadd.s32 s21, s5  }
0xa3: {  	[timem:s9], [sflag:s22] =	dma.local [hbm:s7], s20  }
0xa4: {  	_ =	swait.ge [sflag:s22], s20  }
0xa5: {  	s6 =	ssub.s32 $0x0, s20;
	[sflag:s22] =	ssyncset.done $0x0  }
0xa6: {  	[sflag:s22] =	ssyncadd.s32 s6;
	_ =	sdelay $0x1  }
0xa7: {  	s23 =	simm.s32 $0x1B8B  }
0xa8: {  	_ =	swait.ge [sflag:s23], $0x1  }
0xa9: {  	[sflag:s23] =	ssyncset.done $0x0  }
0xaa: {  	s25 =	simm.s32 $0x1B8E;
	s24 =	sld [smem:$0x3FFE];
	[sflag:s23] =	ssyncadd.s32 $0xFFFFFFFF  }
0xab: {  	s26 =	simm.s32 $execute0_lowered;
	[smem:$0x3FD2] =	sst s25  }
0xac: {  	s7 =	sshll.u32 s26, $0x1;
	_ =	strace $0x80000046;
	[dreg:$0x1] =	wrdreg $0xFFFFFFFF  }
0xad: {  	s28 =	simm.s32 $_size_execute0_lowered;
	s5 =	sadd.s32 s5, s7;
	[dreg:$0x0] =	wrdreg $0x0  }
0xae: {  	s7 =	sshll.u32 s28, $0x1;
	[dreg:$0x2] =	wrdreg s5  }
0xaf: {  	[dreg:$0x3] =	wrdreg s7  }
0xb0: {  	[dreg:$0x4] =	wrdreg $0xC0  }
0xb1: {  	_ =	task [dreg:s9], $0x5FFFF  }
0xb2: {  	[dreg:$0x1] =	wrdreg $0xFFFFFFFF  }
0xb3: {  	[dreg:$0x0] =	wrdreg $0x60  }
0xb4: {  	[dreg:$0x2] =	wrdreg s24  }
0xb5: {  	[dreg:$0x3] =	wrdreg s15  }
0xb6: {  	[dreg:$0x4] =	wrdreg s16  }
0xb7: {  	[dreg:$0x5] =	wrdreg s17  }
0xb8: {  	[dreg:$0x6] =	wrdreg $0x9  }
0xb9: {  	_ =	task.clear_ibuf [dreg:s9], $0x7FFFF;
	_ =	strace $0x90000046  }
0xba: {  	s29 =	simm.s32 $0x9;
	_ =	strace $0x80000048  }
0xbb: {  	_ =	swait.ge [sflag:s29], $0x1  }
0xbc: {  	[sflag:s29] =	ssyncadd.s32 $0xFFFFFFFF  }
0xbd: {  	_ =	strace $0x90000048  }
0xbe: {  	_ =	sfence  }
0xbf: {  	s30 =	sld [smem:$0x0];
	_ =	sdelay $0x2  }
0xc0: {  	s31 =	sshll.u32 s1, $0xD;
	s1 =	sshrl.u32 s1, $0x2  }
0xc1: {  	s3 =	sand.u32 $0x4000, s31;
	s1 =	sadd.s32 s1, s30  }
0xc2: {  	s0 =	sor.u32 s3, s0;
	s1 =	sshll.u32 s1, $0x11  }
0xc3: {  	s0 =	sor.u32 s1, s0  }
0xc4: {  	s0 =	sadd.s32 $0x8F2B, s0  }
0xc5: {  	[sflag:s0] =	ssyncadd.remote.s32 $0x1  }
0xc6: {  	_ =	sfence.sel $0xFFFF  }
0xc7: {  	[dreg:$0x0] =	wrdreg $0xFFFFFFFF;
	(pc) =	sbr.abs _section_cstart, $3  }
0xc8: {  	[dreg:$0x1] =	wrdreg $0xFFFFFFFF  }
0xc9: {  	_ =	task.clear_ibuf [dreg:s9], $0x2FFFF;
	_ =	strace $0x9FFFFFFF  }
0xca: {  	(tm) =	ssettm $0x7FFFFFFF  }
0xcb: {  	_ =	shalt  }
tec
execute0_lowered:
.L_overlay_start_1:
0x0: {  	(tag) =	ssettag $0x1  }
0x1: {  	s4 =	rddreg [dreg:$0x0]  }
0x2: {  	s5 =	rddreg [dreg:$0x1]  }
0x3: {  	s9 =	rddreg [dreg:$0x2];
	s1 =	srdreg.scid  }
0x4: {  	s0 =	stileid.u32;
	s6 =	rddreg [dreg:$0x3];
	s2 =	simm.s32 $0x0  }
0x5: {  	s7 =	sand.u32 $0x1, s1;
	s1 =	rddreg [dreg:$0x4];
	s13 =	smul.u32 $0x198000, s0  }
0x6: {  	s3 =	sshll.u32 s0, $0x1;
	[smem:$0x7FF] =	sst s2;
	s30 =	smul.u32 $0x3300, s0  }
0x7: {  	s8 =	sor.u32 s7, s3;
	_ =	strace $0x80000047;
	s29 =	smul.u32 $0xCC000, s7  }
0x8: {  	s3 =	sadd.s32 $0x7600, s4;
	s11 =	ssub.s32 $0x2, s7;
	s15 =	smul.u32 $0x1980, s7  }
0x9: {  	s10 =	smul.u32 $0x1980, s8;
	s12 =	sshrl.u32 s11, $0x1;
	s14 =	sshll.u32 s8, $0x7  }
0xa: {  	s8 =	sshll.u32 s8, $0x4;
	s28 =	ssub.s32 s11, s12;
	s31 =	sadd.s32 s29, s13  }
0xb: {  	s5 =	sadd.s32 s5, s8;
	s6 =	sadd.s32 s6, s8;
	s8 =	sadd.s32 s15, s30  }
0xc: {  	s12 =	simm.s32 $0x7380;
	v0 =	vmov s14;
	s13 =	simm.s32 $0x80;
	s14 =	simm.s32 $0x3380  }
0xd: {  	s15 =	simm.s32 $0x0;
	s10 =	sshrl.u32 s10, $0x3;
	s11 =	sshrl.u32 s31, $0x3  }
0xe: {  	s7 =	smax.u32 s28, $0x1;
	s4 =	sadd.s32 s10, s4;
	s9 =	sadd.s32 s11, s9  }
0xf: {  	v1 =	vlaneseq.u32;
	s10 =	simm.s32 $0x1;
	s11 =	simm.s32 $0x1980;
	s4 =	sadd.s32 $0x1000, s4  }
.LBB2_1:
0x10: {  	[tilespmem:s2], [sflag:$0x1] =	stream.linear.gather [hbm4b:s4+s2], $0x1980, $0x38;
	[tilespmem:$0x7400] =	vst v63  }
0x11: {  	_ =	swait.ge [sflag:s10], $0x1980  }
0x12: {  	[sflag:s10] =	ssyncset.done $0x0  }
0x13: {  	[sflag:s10] =	ssyncadd.s32 $0xFFFFE680  }
0x14: {  	[tilespmem:s11], [sflag:$0x1] =	stream.linear.gather [hbm4b:s5+s2], $0x80, $0x38;
	[tilespmem:$0x7400] =	vst v63  }
0x15: {  	_ =	swait.ge [sflag:s10], $0x80  }
0x16: {  	[sflag:s10] =	ssyncset.done $0x0  }
0x17: {  	[sflag:s10] =	ssyncadd.s32 $0xFFFFFF80  }
0x18: {  	v2 =	vld [tilespmem:$0x1980]  }
0x19: {  	v3 =	vld [tilespmem:$0x1990]  }
0x1a: {  	v4 =	vld [tilespmem:$0x19A0]  }
0x1b: {  	v5 =	vld [tilespmem:$0x19B0]  }
0x1c: {  	v6 =	vld [tilespmem:$0x19C0]  }
0x1d: {  	v7 =	vld [tilespmem:$0x19D0];
	v2 =	vadd.s32 $0x1, v2  }
0x1e: {  	[tilespmem:$0x7380] =	vst v2;
	v2 =	vadd.s32 $0x1, v3;
	v3 =	vld [tilespmem:$0x19E0]  }
0x1f: {  	[tilespmem:$0x7390] =	vst v2;
	v2 =	vadd.s32 $0x1, v4;
	v4 =	vld [tilespmem:$0x19F0]  }
0x20: {  	[tilespmem:$0x73A0] =	vst v2;
	v2 =	vadd.s32 $0x1, v5  }
0x21: {  	[tilespmem:$0x73B0] =	vst v2;
	v2 =	vadd.s32 $0x1, v6  }
0x22: {  	[tilespmem:$0x73C0] =	vst v2;
	v2 =	vadd.s32 $0x1, v7  }
0x23: {  	[tilespmem:$0x73D0] =	vst v2;
	v2 =	vadd.s32 $0x1, v3  }
0x24: {  	[tilespmem:$0x73E0] =	vst v2;
	v3 =	vadd.s32 $0x1, v4;
	v2 =	vor.u32 s8, v1  }
0x25: {  	[tilespmem:$0x73F0] =	vst v3;
	v3 =	vmulhi.u32 $0xA0A0A0A1, v2;
	_ =	sdelay $0x1  }
0x26: {  	v3 =	vshrl.u32 v3, $0x5  }
0x27: {  	v4 =	vsub.s32 v3, v0  }
0x28: {  	v5 =	vand.u32 $0x7F, v3;
	v4 =	vand.u32 $0xFFFFFF80, v4  }
0x29: {  	v5 =	vor.u32 v5, v4  }
0x2a: {  	[hbm4b:s6+s2] =	stream.linear.scatter [tilespmem:s12], [sflag:$0x1], $0x80, $0x38;
	[tilespmem:$0x7400] =	vst v63  }
0x2b: {  	_ =	swait.ge [sflag:s10], $0x80  }
0x2c: {  	s17 =	sadd.s32 $0x10, s8;
	s16 =	simm.s32 $0x40;
	[sflag:s10] =	ssyncset.done $0x0  }
0x2d: {  	s19 =	simm.s32 $0x80;
	s18 =	simm.s32 $0x0;
	[sflag:s10] =	ssyncadd.s32 $0xFFFFFF80;
	v4 =	vor.u32 s17, v1  }
.LBB2_2:
0x2e: {  	p0 =	sne.s32 s19, $0x65C0;
	v6 =	vmulhi.u32 $0xA0A0A0A1, v4;
	v7 =	vld.idx.msk [tilespmem:v5+s11+$0x0], $0xffff  }
0x2f: {  	s20 =	sshra.s32 s18, $0x2;
	s18 =	smov.u32 s16;
	s16 =	smov.u32 s19  }
0x30: {  	v5 =	vshrl.u32 v6, $0x5;
	v6 =	vld [tilespmem:s20+$0x0]  }
0x31: {  	v9 =	vmul.u32 $0xFFFFFFCD, v3;
	v8 =	vsub.s32 v5, v0;
	v3 =	vmov v5  }
0x32: {  	v5 =	vand.u32 $0xFFFFFF80, v8;
	v8 =	vand.u32 $0x7F, v3  }
.Ltmp0:
0x33: {  	v5 =	vor.u32 v8, v5;
	v8 =	vadd.s32 v2, v9;
	v2 =	vmov v4;
	(pc) =	sbr.rel @p0 .LBB2_2-.Ltmp0, $4  }
0x34: {  	vm0 =	veq.s32 v8, v7  }
0x35: {  	vm1 =	vlt.s32 v6, $0x0;
	v4 =	vsel vm0, $0x186A0, v6  }
0x36: {  	s17 =	sadd.s32 $0x10, s17;
	v6 =	vsel vm1, $0x186A1, v4  }
0x37: {  	s19 =	sadd.s32 $0x40, s19;
	v4 =	vor.u32 s17, v1;
	[tilespmem:s20+$0x1A00] =	vst v6  }
0x38: {  	_ =	sdelay $0x2  }
0x39: {  	v6 =	vmulhi.u32 $0xA0A0A0A1, v4  }
0x3a: {  	v5 =	vld.idx.msk [tilespmem:v5+s11+$0x0], $0xffff;
	s17 =	sshra.s32 s18, $0x2  }
0x3b: {  	v7 =	vld [tilespmem:s17+$0x0];
	v6 =	vshrl.u32 v6, $0x5  }
0x3c: {  	v3 =	vmul.u32 $0xFFFFFFCD, v3;
	v8 =	vsub.s32 v6, v0  }
0x3d: {  	v9 =	vand.u32 $0x7F, v6;
	v8 =	vand.u32 $0xFFFFFF80, v8  }
0x3e: {  	v2 =	vadd.s32 v2, v3;
	v8 =	vor.u32 v9, v8  }
0x3f: {  	vm0 =	veq.s32 v2, v5  }
0x40: {  	vm1 =	vlt.s32 v7, $0x0;
	v2 =	vsel vm0, $0x186A0, v7  }
0x41: {  	v2 =	vsel vm1, $0x186A1, v2  }
0x42: {  	[tilespmem:s17+$0x1A00] =	vst v2  }
0x43: {  	s16 =	sshra.s32 s16, $0x2;
	v2 =	vld.idx.msk [tilespmem:v8+s11+$0x0], $0xffff  }
0x44: {  	v3 =	vld [tilespmem:s16+$0x0]  }
0x45: {  	v62 =	vmul.u32 $0xFFFFFFCD, v6;
	_ =	sdelay $0x1  }
0x46: {  	v63 =	vadd.s32 v4, v62  }
0x47: {  	vm14 =	veq.s32 v63, v2  }
0x48: {  	vm15 =	vlt.s32 v3, $0x0;
	v2 =	vsel vm14, $0x186A0, v3  }
0x49: {  	v2 =	vsel vm15, $0x186A1, v2  }
0x4a: {  	s31 =	simm.s32 $0x1A00;
	[tilespmem:s16+$0x1A00] =	vst v2  }
0x4b: {  	[tilespmem:s14], [sflag:$0x1] =	stream.indirect.gather [hbm4b:s3+s13], $0x80, s31, s13, $0xb8;
	[tilespmem:$0x7400] =	vst v63  }
0x4c: {  	_ =	swait.ge [sflag:s10], $0x4000  }
0x4d: {  	[sflag:s10] =	ssyncset.done $0x0  }
0x4e: {  	[sflag:s10] =	ssyncadd.s32 $0xFFFFC000  }
0x4f: {  	[hbm4b:s9+s2] =	stream.linear.scatter [tilespmem:s14], [sflag:$0x1], $0x4000, $0x38;
	[tilespmem:$0x7400] =	vst v63  }
0x50: {  	s18 =	simm.s32 $0x80;
	_ =	swait.ge [sflag:s10], $0x4000  }
0x51: {  	s17 =	simm.s32 $0x400;
	s16 =	sadd.s32 $0x800, s9;
	[sflag:s10] =	ssyncset.done $0x0  }
.LBB2_4:
0x52: {  	s18 =	sadd.s32 $0x1A00, s18  }
0x53: {  	[sflag:s10] =	ssyncadd.s32 $0xFFFFC000;
	s19 =	smov.u32 s17;
	s20 =	sadd.s32 $0x200, s17  }
0x54: {  	[tilespmem:s14], [sflag:$0x1] =	stream.indirect.gather [hbm4b:s3+s13], $0x80, s18, s13, $0xb8;
	[tilespmem:$0x7400] =	vst v63  }
0x55: {  	p0 =	sne.s32 s17, $0x6400;
	_ =	swait.ge [sflag:s10], $0x4000  }
.Ltmp1:
0x56: {  	[sflag:s10] =	ssyncset.done $0x0;
	(pc) =	sbr.rel @p0 .LBB2_4-.Ltmp1, $4  }
0x57: {  	[sflag:s10] =	ssyncadd.s32 $0xFFFFC000  }
0x58: {  	[hbm4b:s16+s2] =	stream.linear.scatter [tilespmem:s14], [sflag:$0x1], $0x4000, $0x38;
	[tilespmem:$0x7400] =	vst v63  }
0x59: {  	s18 =	sshra.s32 s19, $0x2;
	_ =	swait.ge [sflag:s10], $0x4000  }
0x5a: {  	s17 =	smov.u32 s20;
	s16 =	sadd.s32 $0x800, s16;
	[sflag:s10] =	ssyncset.done $0x0  }
0x5b: {  	s17 =	sadd.s32 $0x1A00, s18;
	[sflag:s10] =	ssyncadd.s32 $0xFFFFC000  }
0x5c: {  	[tilespmem:s14], [sflag:$0x1] =	stream.indirect.gather [hbm4b:s3+s13], $0x80, s17, s13, $0xb8;
	[tilespmem:$0x7400] =	vst v63  }
0x5d: {  	s15 =	sadd.s32 $0x1, s15;
	_ =	swait.ge [sflag:s10], $0x4000  }
0x5e: {  	p0 =	sne.s32 s15, s7;
	[sflag:s10] =	ssyncset.done $0x0  }
.Ltmp2:
0x5f: {  	[sflag:s10] =	ssyncadd.s32 $0xFFFFC000;
	(pc) =	sbr.rel @p0 .LBB2_1-.Ltmp2, $4  }
0x60: {  	[hbm4b:s16+s2] =	stream.linear.scatter [tilespmem:s14], [sflag:$0x1], $0x4000, $0x38;
	[tilespmem:$0x7400] =	vst v63  }
0x61: {  	_ =	swait.ge [sflag:s10], $0x4000  }
0x62: {  	[sflag:s10] =	ssyncset.done $0x0  }
0x63: {  	[sflag:s10] =	ssyncadd.s32 $0xFFFFC000  }
0x64: {  	_ =	sfence.sel $0x180000  }
0x65: {  	[bflag:$0x0] =	sbarrier.arrive $0xFFFF  }
0x66: {  	p0 =	sne.s32 s0, $0x0;
	_ =	strace $0x90000047  }
0x67: {  	s0 =	sadd.s32 @!p0 $0x100000, s1;
	[bflag:$0x2] =	sbarrier.arrive $0xFFFF  }
0x68: {  	[sflag:s0] =	ssyncadd.tile.s32 @!p0 $0x1;
	_ =	shalt  }
.Lfunc_end2:
_tile_overlayer_lowered:
.L_overlay_start_2:
0x69: {  	(tag) =	ssettag $0x2  }
0x6a: {  	s0 =	rddreg [dreg:$0x0];
	s2 =	stileid.u32  }
0x6b: {  	s1 =	rddreg [dreg:$0x1];
	p0 =	sne.s32 s2, $0x0  }
0x6c: {  	s3 =	rddreg [dreg:$0x2];
	[bflag:$0x3] =	sbarrier.arrive $0xFFFF;
	s2 =	simm.s32 @!p0 $0x1C01  }
0x6d: {  	[timem:s3], [sflag:s2] =	dma.local @!p0 [hbm:s0], s1  }
0x6e: {  	s0 =	simm.s32 @!p0 $0x1  }
0x6f: {  	_ =	swait.ge @!p0 [sflag:s0], s1  }
0x70: {  	s1 =	ssub.s32 @!p0 $0x0, s1;
	[sflag:s0] =	ssyncset.done @!p0 $0x0  }
0x71: {  	[sflag:s0] =	ssyncadd.s32 @!p0 s1  }
0x72: {  	[bflag:$0x3] =	sbarrier.arrive $0xFFFF  }
0x73: {  	_ =	shalt  }

// kernel: sparse-core-data-format-call.cloned.1.call-start
scs
called_computation_lowered:
.L_overlay_start_0:
0x0: {  	s2 =	sld [smem:$0x3FD9]  }
0x1: {  	s3 =	sld [smem:$0x3FFE];
	_ =	sdelay $0x1  }
0x2: {  	s1 =	srdreg.scid  }
0x3: {  	s0 =	sand.u32 $0x1, s1  }
0x4: {  	s15 =	sshll.u32 s0, $0xA;
	s2 =	sadd.s32 s3, s2  }
0x5: {  	s2 =	sadd.s32 s2, s15  }
0x6: {  	[smem:$0x3FC1] =	sst s2  }
0x7: {  	_ = 	snop  }
0x8: {  	s2 =	sld [smem:$0x3FD0];
	_ =	sdelay $0x2  }
0x9: {  	s16 =	simm.s32 $0xA;
	s4 =	simm.s32 $0x10  }
0xa: {  	[smem:s4], [sflag:s16] =	dma.local [hbm:s2], $0x1  }
0xb: {  	_ =	swait.eq [sflag:s16], $0x1  }
0xc: {  	[sflag:s16] =	ssyncset.done $0x0  }
0xd: {  	[sflag:s16] =	ssyncadd.s32 $0xFFFFFFFF  }
0xe: {  	s17 =	sld [smem:$0x10];
	(tm) =	ssettm $0x1  }
0xf: {  	s18 =	sld [smem:$0x3FFB];
	_ =	sdelay $0x3  }
0x10: {  	_ =	strace s18  }
0x11: {  	s3 =	sld [smem:$0x3FFC];
	_ =	sdelay $0x3  }
0x12: {  	_ =	strace s3  }
0x13: {  	s3 =	sld [smem:$0x3FFD];
	_ =	sdelay $0x3  }
0x14: {  	_ =	strace s3  }
0x15: {  	_ =	strace $0x8FFFFFFF  }
0x16: {  	s19 =	sld [smem:$0x3FDB];
	_ =	sdelay $0x1  }
0x17: {  	s20 =	simm.s32 $_scs_section_size  }
0x18: {  	s5 =	simm.s32 $_size__tile_overlayer_lowered;
	s6 =	simm.s32 $_tile_overlayer_lowered  }
0x19: {  	s23 =	simm.s32 $0x1BFF;
	s22 =	sshll.u32 s6, $0x1;
	s3 =	sadd.s32 s20, s19  }
0x1a: {  	s7 =	simm.s32 $0x0;
	s21 =	sshll.u32 s5, $0x1;
	s5 =	sadd.s32 s22, s3  }
0x1b: {  	[timem:s7], [sflag:s23] =	dma.local [hbm:s5], s21  }
0x1c: {  	_ =	swait.ge [sflag:s23], s21  }
0x1d: {  	s4 =	ssub.s32 $0x0, s21;
	[sflag:s23] =	ssyncset.done $0x0  }
0x1e: {  	[sflag:s23] =	ssyncadd.s32 s4;
	_ =	sdelay $0x1  }
0x1f: {  	s24 =	simm.s32 $0x1B8B  }
0x20: {  	_ =	swait.ge [sflag:s24], $0x1  }
0x21: {  	[sflag:s24] =	ssyncset.done $0x0  }
0x22: {  	s26 =	simm.s32 $0x1B8E;
	s25 =	sld [smem:$0x3FFE];
	[sflag:s24] =	ssyncadd.s32 $0xFFFFFFFF  }
0x23: {  	s27 =	simm.s32 $execute0_lowered;
	[smem:$0x3FD2] =	sst s26  }
0x24: {  	s5 =	sshll.u32 s27, $0x1;
	_ =	strace $0x80000049;
	[dreg:$0x1] =	wrdreg $0xFFFFFFFF  }
0x25: {  	s28 =	simm.s32 $_size_execute0_lowered;
	s3 =	sadd.s32 s3, s5;
	[dreg:$0x0] =	wrdreg $0x0  }
0x26: {  	s5 =	sshll.u32 s28, $0x1;
	[dreg:$0x2] =	wrdreg s3  }
0x27: {  	[dreg:$0x3] =	wrdreg s5  }
0x28: {  	[dreg:$0x4] =	wrdreg $0xC0  }
0x29: {  	_ =	task [dreg:s7], $0x5FFFF  }
0x2a: {  	[dreg:$0x1] =	wrdreg $0xFFFFFFFF  }
0x2b: {  	[dreg:$0x0] =	wrdreg $0x60  }
0x2c: {  	[dreg:$0x2] =	wrdreg s25  }
0x2d: {  	[dreg:$0x3] =	wrdreg s17  }
0x2e: {  	[dreg:$0x4] =	wrdreg $0x9  }
0x2f: {  	_ =	task.clear_ibuf [dreg:s7], $0x5FFFF;
	_ =	strace $0x90000049  }
0x30: {  	s29 =	simm.s32 $0x9;
	_ =	strace $0x8000004B  }
0x31: {  	_ =	swait.ge [sflag:s29], $0x1  }
0x32: {  	[sflag:s29] =	ssyncadd.s32 $0xFFFFFFFF  }
0x33: {  	_ =	strace $0x9000004B  }
0x34: {  	_ =	sfence  }
0x35: {  	s30 =	sld [smem:$0x0];
	_ =	sdelay $0x2  }
0x36: {  	s31 =	sshll.u32 s1, $0xD;
	s1 =	sshrl.u32 s1, $0x2  }
0x37: {  	s3 =	sand.u32 $0x4000, s31;
	s1 =	sadd.s32 s1, s30  }
0x38: {  	s0 =	sor.u32 s3, s0;
	s1 =	sshll.u32 s1, $0x11  }
0x39: {  	s0 =	sor.u32 s1, s0  }
0x3a: {  	s0 =	sadd.s32 $0x8F2B, s0  }
0x3b: {  	[sflag:s0] =	ssyncadd.remote.s32 $0x1  }
0x3c: {  	_ =	sfence.sel $0xFFFF  }
0x3d: {  	[dreg:$0x0] =	wrdreg $0xFFFFFFFF;
	(pc) =	sbr.abs _section_cstart, $3  }
0x3e: {  	[dreg:$0x1] =	wrdreg $0xFFFFFFFF  }
0x3f: {  	_ =	task.clear_ibuf [dreg:s7], $0x2FFFF;
	_ =	strace $0x9FFFFFFF  }
0x40: {  	(tm) =	ssettm $0x7FFFFFFF  }
0x41: {  	_ =	shalt  }
tec
execute0_lowered:
.L_overlay_start_1:
0x0: {  	(tag) =	ssettag $0x1  }
0x1: {  	s0 =	srdreg.scid  }
0x2: {  	s1 =	sshll.u32 s0, $0x4  }
0x3: {  	s0 =	stileid.u32;
	s1 =	sand.u32 $0x10, s1  }
0x4: {  	s1 =	sor.u32 s0, s1  }
0x5: {  	s6 =	rddreg [dreg:$0x0];
	s4 =	simm.s32 $0x1;
	s2 =	sshll.u32 s1, $0x7  }
0x6: {  	s7 =	simm.s32 $0x2;
	s8 =	simm.s32 $0x0;
	s1 =	ssub.s32 $0x1000, s2  }
0x7: {  	s9 =	simm.s32 $0x0;
	s13 =	simm.s32 $0x0;
	s3 =	sand.u32 $0xF80, s1  }
0x8: {  	s14 =	simm.s32 $0x0;
	s5 =	sshrl.u32 s1, $0xC;
	p0 =	sne.s32 s3, $0x0  }
.Ltmp0:
0x9: {  	s1 =	rddreg [dreg:$0x2];
	s4 =	simm.s32 @!p0 $0x0;
	(pc) =	sbr.rel .LBB1_1-.Ltmp0, $4  }
0xa: {  	s10 =	simm.s32 $0x0;
	s3 =	rddreg [dreg:$0x1];
	s5 =	sadd.s32 s4, s5  }
0xb: {  	_ =	strace $0x8000004A;
	s4 =	simm.s32 $0x1;
	s5 =	smul.u32 $0x33, s5  }
0xc: {  	s12 =	simm.s32 $0x0;
	s6 =	sadd.s32 $0x1000, s6;
	[sflag:s4] =	ssyncpa.u1 $0x0  }
0xd: {  	s11 =	smov.u32 s2;
	[sflag:s7] =	ssyncpa.u1 $0x0;
	s7 =	sadd.s32 $0x1, s5  }
.LBB1_4:
0xe: {  	_ =	sdelay $0x3  }
0xf: {  	[tilespmem:v0+s16+$0xFFFFFFD0 ss:$0x1] =	vst.idx.msk $0xffff, v6  }
0x10: {  	v56 =	vld.idx.msk [tilespmem:v1+s17+$0x0 ss:$0x1], $0xffff;
	[tilespmem:v0+s16+$0xFFFFFFE0 ss:$0x1] =	vst.idx.msk $0xffff, v4  }
0x11: {  	v57 =	vld.idx.msk [tilespmem:v1+s17+$0xFFFFFF90 ss:$0x1], $0xffff;
	[tilespmem:v0+s16+$0xFFFFFFF0 ss:$0x1] =	vst.idx.msk $0xffff, v2  }
0x12: {  	v58 =	vld.idx.msk [tilespmem:v1+s17+$0xFFFFFFA0 ss:$0x1], $0xffff;
	[tilespmem:v0+s16+$0x0 ss:$0x1] =	vst.idx.msk $0xffff, v3  }
0x13: {  	v59 =	vld.idx.msk [tilespmem:v1+s17+$0xFFFFFFB0 ss:$0x1], $0xffff;
	[tilespmem:v0+s16+$0x10 ss:$0x1] =	vst.idx.msk $0xffff, v5  }
0x14: {  	v60 =	vld.idx.msk [tilespmem:v1+s17+$0xFFFFFFC0 ss:$0x1], $0xffff;
	[tilespmem:v0+s16+$0x20 ss:$0x1] =	vst.idx.msk $0xffff, v7  }
0x15: {  	v61 =	vld.idx.msk [tilespmem:v1+s17+$0xFFFFFFD0 ss:$0x1], $0xffff;
	[tilespmem:v0+s17+$0x30 ss:$0x1] =	vst.idx.msk $0xffff, v56  }
0x16: {  	v62 =	vld.idx.msk [tilespmem:v1+s17+$0xFFFFFFE0 ss:$0x1], $0xffff;
	[tilespmem:v0+s17+$0xFFFFFFC0 ss:$0x1] =	vst.idx.msk $0xffff, v57  }
0x17: {  	v63 =	vld.idx.msk [tilespmem:v1+s17+$0xFFFFFFF0 ss:$0x1], $0xffff;
	[tilespmem:v0+s17+$0xFFFFFFD0 ss:$0x1] =	vst.idx.msk $0xffff, v58  }
0x18: {  	[tilespmem:v0+s17+$0xFFFFFFE0 ss:$0x1] =	vst.idx.msk $0xffff, v59  }
0x19: {  	s14 =	sshll.u32 s14, $0x4;
	[tilespmem:v0+s17+$0xFFFFFFF0 ss:$0x1] =	vst.idx.msk $0xffff, v60  }
0x1a: {  	s14 =	sand.u32 $0xFFF0, s14;
	[tilespmem:v0+s17+$0x0 ss:$0x1] =	vst.idx.msk $0xffff, v61  }
0x1b: {  	s13 =	sshll.u32 s13, $0x10;
	s14 =	sadd.s32 s3, s14;
	[tilespmem:v0+s17+$0x10 ss:$0x1] =	vst.idx.msk $0xffff, v62  }
0x1c: {  	s13 =	sadd.s32 s13, s14;
	[tilespmem:v0+s17+$0x20 ss:$0x1] =	vst.idx.msk $0xffff, v63  }
0x1d: {  	[hbm4b:s13+s8] =	stream.linear.scatter [tilespmem:s15], [sflag:$0x2], $0x4000, $0x38;
	[tilespmem:$0x10000] =	vst v63  }
.LBB1_5:
0x1e: {  	s15 =	sadd.s32 $0x1, s10  }
0x1f: {  	s13 =	sadd.s32 $0x1000, s11;
	s17 =	smov.u32 s11;
	p1 =	sgt.s32 s15, $0x32  }
0x20: {  	s17 =	smov.u32 @p1 s13  }
0x21: {  	s15 =	simm.s32 @p1 $0x0;
	p1 =	sgt.s32 s17, $0xFFF  }
0x22: {  	s17 =	smov.u32 @p1 s2;
	p1 =	sne.s32 s12, s7  }
.Ltmp1:
0x23: {  	p0 =	slt.u32 s12, $0x2;
	(pc) =	sbr.rel @!p1 .LBB1_6-.Ltmp1, $4  }
0x24: {  	s16 =	simm.s32 @!p0 $0x2  }
0x25: {  	s14 =	smov.u32 s11;
	s9 =	sadd.s32 $0x4000, s9;
	_ =	swait.ge @!p0 [sflag:s16], $0x4000  }
0x26: {  	s13 =	smov.u32 s10;
	[sflag:s16] =	ssyncset.done @!p0 $0x0;
	s10 =	smov.u32 s15  }
0x27: {  	s12 =	sadd.s32 $0x1, s12;
	[sflag:s16] =	ssyncadd.s32 @!p0 $0xFFFFC000;
	s11 =	smov.u32 s17  }
.LBB1_1:
0x28: {  	p0 =	sge.u32 s12, s5  }
0x29: {  	s15 =	sand.u32 @!p0 $0x1FFFFFF, s10  }
0x2a: {  	s16 =	smulhi.u32 @!p0 $0x4924925, s15;
	_ =	sdelay $0x1  }
0x2b: {  	s16 =	smul.u32 @!p0 $0x38, s16  }
0x2c: {  	s17 =	sxor.u32 @!p0 $0xFFFFFFFF, s12;
	s18 =	smul.u32 @!p0 $0x380, s11  }
0x2d: {  	s31 =	sadd.s32 $0xFFFFFFFF, s12;
	s17 =	sshll.u32 @!p0 s17, $0xE;
	s15 =	ssub.s32 @!p0 s15, s16  }
0x2e: {  	s16 =	sand.u32 @!p0 $0x4000, s17;
	s17 =	sadd.s32 @!p0 s6, s18;
	s15 =	sshll.u32 @!p0 s15, $0x4  }
0x2f: {  	s18 =	simm.s32 @!p0 $0x1C00;
	s15 =	sadd.s32 @!p0 s15, s17;
	s17 =	simm.s32 @!p0 $0x80  }
0x30: {  	[tilespmem:s16], [sflag:$0x1] =	stream.strided.gather @!p0 [hbm4b:s15+s17], $0x4000, s18, s17, $0x38;
	[tilespmem:$0x10000] =	vst v63  }
0x31: {  	p0 =	sge.u32 s31, s5  }
.Ltmp2:
0x32: {  	_ = 	snop;
	(pc) =	sbr.rel @p0 .LBB1_5-.Ltmp2, $1  }
0x33: {  	_ =	sdelay $0x3  }
0x34: {  	s15 =	sand.u32 $0x4000, s9  }
0x35: {  	s16 =	sor.u32 $0x70, s15  }
0x36: {  	v1 =	vmov s16;
	_ =	sdelay $0x1  }
0x37: {  	_ =	swait.ge [sflag:s4], $0x4000  }
0x38: {  	[sflag:s4] =	ssyncset.done $0x0  }
0x39: {  	[sflag:s4] =	ssyncadd.s32 $0xFFFFC000;
	s16 =	simm.s32 $0x0  }
0x3a: {  	s15 =	sor.u32 $0x8040, s15;
	v7 =	vld.idx.msk [tilespmem:v1+s16+$0x0 ss:$0x1], $0xffff  }
0x3b: {  	v0 =	vmov s15;
	v8 =	vld.idx.msk [tilespmem:v1+s16+$0xFFFFFF90 ss:$0x1], $0xffff  }
0x3c: {  	v6 =	vld.idx.msk [tilespmem:v1+s16+$0xFFFFFFA0 ss:$0x1], $0xffff  }
0x3d: {  	v4 =	vld.idx.msk [tilespmem:v1+s16+$0xFFFFFFB0 ss:$0x1], $0xffff  }
0x3e: {  	v2 =	vld.idx.msk [tilespmem:v1+s16+$0xFFFFFFC0 ss:$0x1], $0xffff  }
0x3f: {  	s31 =	sshll.u32 s12, $0xE;
	v3 =	vld.idx.msk [tilespmem:v1+s16+$0xFFFFFFD0 ss:$0x1], $0xffff  }
0x40: {  	s15 =	sand.u32 $0x4000, s31;
	v5 =	vld.idx.msk [tilespmem:v1+s16+$0xFFFFFFE0 ss:$0x1], $0xffff;
	[tilespmem:v0+s16+$0x30 ss:$0x1] =	vst.idx.msk $0xffff, v7  }
0x41: {  	s17 =	simm.s32 $0x80;
	s18 =	simm.s32 $0x400;
	s15 =	sor.u32 $0x8000, s15;
	[tilespmem:v0+s16+$0xFFFFFFC0 ss:$0x1] =	vst.idx.msk $0xffff, v8;
	v7 =	vld.idx.msk [tilespmem:v1+s16+$0xFFFFFFF0 ss:$0x1], $0xffff  }
.LBB1_3:
0x42: {  	p0 =	sne.s32 s18, $0xFE00;
	v8 =	vld.idx.msk [tilespmem:v1+s17+$0x0 ss:$0x1], $0xffff;
	[tilespmem:v0+s16+$0xFFFFFFD0 ss:$0x1] =	vst.idx.msk $0xffff, v6  }
0x43: {  	v9 =	vld.idx.msk [tilespmem:v1+s17+$0xFFFFFF90 ss:$0x1], $0xffff;
	[tilespmem:v0+s16+$0xFFFFFFE0 ss:$0x1] =	vst.idx.msk $0xffff, v4  }
0x44: {  	v6 =	vld.idx.msk [tilespmem:v1+s17+$0xFFFFFFA0 ss:$0x1], $0xffff;
	[tilespmem:v0+s16+$0xFFFFFFF0 ss:$0x1] =	vst.idx.msk $0xffff, v2  }
.Ltmp3:
0x45: {  	v4 =	vld.idx.msk [tilespmem:v1+s17+$0xFFFFFFB0 ss:$0x1], $0xffff;
	[tilespmem:v0+s16+$0x0 ss:$0x1] =	vst.idx.msk $0xffff, v3;
	(pc) =	sbr.rel @p0 .LBB1_3-.Ltmp3, $4  }
0x46: {  	v2 =	vld.idx.msk [tilespmem:v1+s17+$0xFFFFFFC0 ss:$0x1], $0xffff;
	[tilespmem:v0+s16+$0x10 ss:$0x1] =	vst.idx.msk $0xffff, v5  }
0x47: {  	v3 =	vld.idx.msk [tilespmem:v1+s17+$0xFFFFFFD0 ss:$0x1], $0xffff;
	[tilespmem:v0+s16+$0x20 ss:$0x1] =	vst.idx.msk $0xffff, v7;
	s16 =	smov.u32 s17  }
0x48: {  	v5 =	vld.idx.msk [tilespmem:v1+s16+$0xFFFFFFE0 ss:$0x1], $0xffff;
	[tilespmem:v0+s16+$0x30 ss:$0x1] =	vst.idx.msk $0xffff, v8  }
0x49: {  	s17 =	sshra.s32 s18, $0x2;
	s18 =	sadd.s32 $0x200, s18;
	[tilespmem:v0+s16+$0xFFFFFFC0 ss:$0x1] =	vst.idx.msk $0xffff, v9;
	v7 =	vld.idx.msk [tilespmem:v1+s16+$0xFFFFFFF0 ss:$0x1], $0xffff  }
.Ltmp4:
0x4a: {  	_ = 	snop;
	(pc) =	sbr.rel .LBB1_4-.Ltmp4, $1  }
0x4b: {  	_ =	sdelay $0x3  }
.LBB1_6:
0x4c: {  	_ =	sfence.sel $0x180000  }
0x4d: {  	s2 =	simm.s32 $0x1;
	[bflag:$0x0] =	sbarrier.arrive $0xFFFF  }
0x4e: {  	s31 =	simm.s32 $0x2;
	[sflag:s2] =	ssyncpa.u1 $0x1  }
0x4f: {  	[sflag:s31] =	ssyncpa.u1 $0x1  }
0x50: {  	p0 =	sne.s32 s0, $0x0;
	_ =	strace $0x9000004A  }
0x51: {  	s0 =	sadd.s32 @!p0 $0x100000, s1;
	[bflag:$0x2] =	sbarrier.arrive $0xFFFF  }
0x52: {  	[sflag:s0] =	ssyncadd.tile.s32 @!p0 $0x1;
	_ =	shalt  }
.Lfunc_end1:
_tile_overlayer_lowered:
.L_overlay_start_2:
0x53: {  	(tag) =	ssettag $0x2  }
0x54: {  	s0 =	rddreg [dreg:$0x0];
	s2 =	stileid.u32  }
0x55: {  	s1 =	rddreg [dreg:$0x1];
	p0 =	sne.s32 s2, $0x0  }
0x56: {  	s3 =	rddreg [dreg:$0x2];
	[bflag:$0x3] =	sbarrier.arrive $0xFFFF;
	s2 =	simm.s32 @!p0 $0x1C01  }
0x57: {  	[timem:s3], [sflag:s2] =	dma.local @!p0 [hbm:s0], s1  }
0x58: {  	s0 =	simm.s32 @!p0 $0x1  }
0x59: {  	_ =	swait.ge @!p0 [sflag:s0], s1  }
0x5a: {  	s1 =	ssub.s32 @!p0 $0x0, s1;
	[sflag:s0] =	ssyncset.done @!p0 $0x0  }
0x5b: {  	[sflag:s0] =	ssyncadd.s32 @!p0 s1  }
0x5c: {  	[bflag:$0x3] =	sbarrier.arrive $0xFFFF  }
0x5d: {  	_ =	shalt  }

</sc_bundles>
